<compile_context>
chip_gen: v7x
topology: tpu7x:2x2x1
jax: 0.10.2.dev20260603
libtpu: 0.0.44.dev20260713+nightly
codegen_flags: <defaults>
</compile_context>

<pallas_src>
import functools
import jax
import jax.numpy as jnp
from jax import lax
from jax.experimental import pallas as pl
from jax.experimental.pallas import tpu as pltpu
from jax.experimental.pallas import tpu_sc as plsc

_NC, _NS = 2, 16
_NW = _NC * _NS


@functools.lru_cache(maxsize=None)
def _make_sc_kernel(B, L, D, dtype_name):
    dtype = jnp.dtype(dtype_name)
    assert B % _NW == 0
    bpw = B // _NW
    mesh = plsc.VectorSubcoreMesh(core_axis_name="c", subcore_axis_name="s")

    @functools.partial(
        pl.kernel,
        mesh=mesh,
        out_type=jax.ShapeDtypeStruct((B, L, D), dtype),
        scratch_types=[
            pltpu.VMEM((L, D), dtype),
            pltpu.SemaphoreType.DMA,
        ],
    )
    def k(w_hbm, out_hbm, local, sem):
        cid = lax.axis_index("c")
        sid = lax.axis_index("s")
        pltpu.sync_copy(w_hbm, local)
        wid = sid * _NC + cid
        base = wid * bpw
        copies = [
            pltpu.make_async_copy(local, out_hbm.at[base + i], sem)
            for i in range(bpw)
        ]
        for c in copies:
            c.start()
        for c in copies:
            c.wait()

    return k


def kernel(x, embed_weight):
    b, l, d = x.shape
    k = _make_sc_kernel(b, l, d, str(embed_weight.dtype))
    return k(embed_weight)

# --- scband reference (transcript-rebuilt; emitter-appended) ---
"""Pipeline reference for scband-position-embedding-learned-89627377533512 (READ-ONLY COPY).

The authoritative reference and input builder live on the scoring server;
editing this copy changes nothing except your own understanding.
"""

import jax, jax.numpy as jnp
import numpy as np

NUM_POS_FEATS = 256
MAX_POS = 500

def setup_inputs(seed: int = 0) -> dict:
    key = jax.random.key(seed)
    kx, kw = jax.random.split(key)
    x = jax.random.normal(kx, (128, 500, NUM_POS_FEATS), dtype=jnp.float32)
    # nn.init.uniform_ -> U[0, 1)
    embed_weight = jax.random.uniform(kw, (MAX_POS, NUM_POS_FEATS), dtype=jnp.float32)
    return {"x": x, "embed_weight": embed_weight}

def reference(x, embed_weight):
    l = x.shape[-2]
    i = jnp.arange(l)
    embeded = jnp.take(embed_weight, i, axis=0)          # [l, dim] embedding gather
    pos = jnp.tile(embeded[None, :, :], (x.shape[0], 1, 1))  # unsqueeze(0).repeat(B,1,1)
    return pos

if __name__ == "__main__":
    import jax
    _d = setup_inputs()
    print(jax.jit(kernel)(*tuple(_d.values())))

</pallas_src>

<mosaic_0001>
#map = affine_map<(d0, d1) -> (0, 0)>
#map1 = affine_map<(d0, d1) -> (0, 0, 0)>
module attributes {stable_mosaic.version = 14 : i64} {
  func.func @k(%arg0: i32, %arg1: i32, %arg2: memref<500x256xf32, #tpu.memory_space<hbm>>, %arg3: memref<128x500x256xf32, #tpu.memory_space<hbm>>, %arg4: memref<500x256xf32, #tpu.memory_space<vmem>>, %arg5: memref<!tpu.dma_semaphore, #tpu.memory_space<semaphore_mem>>) attributes {dimension_semantics = [#tpu.dimension_semantics<core_parallel>, #tpu.dimension_semantics<subcore_parallel>], iteration_bounds = array<i64: 2, 16>, scalar_prefetch = 0 : i64, scratch_operands = 2 : i64, tpu.core_type = #tpu.core_type<sc_vector_subcore>, window_params = [{transform_indices = #map}, {transform_indices = #map1}]} {
    "tpu.region"() ({
      %run_scoped3A = tpu.sem_alloc : memref<!tpu.dma_semaphore, #tpu.memory_space<semaphore_mem>>
      tpu.enqueue_dma source(%arg2 : memref<500x256xf32, #tpu.memory_space<hbm>>) target(%arg4 : memref<500x256xf32, #tpu.memory_space<vmem>>) target_semaphore(%run_scoped3A : memref<!tpu.dma_semaphore, #tpu.memory_space<semaphore_mem>>)
      tpu.wait_dma2 semaphore(%run_scoped3A : memref<!tpu.dma_semaphore, #tpu.memory_space<semaphore_mem>>) src(%arg2 : memref<500x256xf32, #tpu.memory_space<hbm>>) dst(%arg4 : memref<500x256xf32, #tpu.memory_space<vmem>>)
      tpu.yield
    }) : () -> ()
    %mul3A = arith.constant 2 : i32
    %mul3A_0 = arith.muli %arg1, %mul3A : i32
    %add3A = arith.addi %mul3A_0, %arg0 : i32
    %mul3A_1 = arith.constant 4 : i32
    %mul3A_2 = arith.muli %add3A, %mul3A_1 : i32
    %add3A_3 = arith.constant 0 : i32
    %add3A_4 = arith.addi %mul3A_2, %add3A_3 : i32
    %add3A_5 = arith.constant 1 : i32
    %add3A_6 = arith.addi %mul3A_2, %add3A_5 : i32
    %add3A_7 = arith.constant 2 : i32
    %add3A_8 = arith.addi %mul3A_2, %add3A_7 : i32
    %add3A_9 = arith.constant 3 : i32
    %add3A_10 = arith.addi %mul3A_2, %add3A_9 : i32
    %dma_start3A = arith.constant 0 : i32
    %dma_start3A_11 = arith.constant 0 : i32
    %dma_start3A_12 = tpu.memref_slice %arg3[%add3A_4, %dma_start3A, %dma_start3A_11] : memref<128x500x256xf32, #tpu.memory_space<hbm>> -> memref<1x500x256xf32, #tpu.memory_space<hbm>>
    %dma_start3A_13 = tpu.memref_squeeze %dma_start3A_12 : memref<1x500x256xf32, #tpu.memory_space<hbm>> -> memref<500x256xf32, #tpu.memory_space<hbm>>
    %dma_start3A_14 = arith.constant 0 : i32
    %dma_start3A_15 = arith.constant 0 : i32
    %dma_start3A_16 = tpu.memref_slice %arg3[%add3A_4, %dma_start3A_14, %dma_start3A_15] : memref<128x500x256xf32, #tpu.memory_space<hbm>> -> memref<1x500x256xf32, #tpu.memory_space<hbm>>
    %dma_start3A_17 = tpu.memref_squeeze %dma_start3A_16 : memref<1x500x256xf32, #tpu.memory_space<hbm>> -> memref<500x256xf32, #tpu.memory_space<hbm>>
    tpu.enqueue_dma source(%arg4 : memref<500x256xf32, #tpu.memory_space<vmem>>) target(%dma_start3A_17 : memref<500x256xf32, #tpu.memory_space<hbm>>) target_semaphore(%arg5 : memref<!tpu.dma_semaphore, #tpu.memory_space<semaphore_mem>>)
    %dma_start3A_18 = arith.constant 0 : i32
    %dma_start3A_19 = arith.constant 0 : i32
    %dma_start3A_20 = tpu.memref_slice %arg3[%add3A_6, %dma_start3A_18, %dma_start3A_19] : memref<128x500x256xf32, #tpu.memory_space<hbm>> -> memref<1x500x256xf32, #tpu.memory_space<hbm>>
    %dma_start3A_21 = tpu.memref_squeeze %dma_start3A_20 : memref<1x500x256xf32, #tpu.memory_space<hbm>> -> memref<500x256xf32, #tpu.memory_space<hbm>>
    %dma_start3A_22 = arith.constant 0 : i32
    %dma_start3A_23 = arith.constant 0 : i32
    %dma_start3A_24 = tpu.memref_slice %arg3[%add3A_6, %dma_start3A_22, %dma_start3A_23] : memref<128x500x256xf32, #tpu.memory_space<hbm>> -> memref<1x500x256xf32, #tpu.memory_space<hbm>>
    %dma_start3A_25 = tpu.memref_squeeze %dma_start3A_24 : memref<1x500x256xf32, #tpu.memory_space<hbm>> -> memref<500x256xf32, #tpu.memory_space<hbm>>
    tpu.enqueue_dma source(%arg4 : memref<500x256xf32, #tpu.memory_space<vmem>>) target(%dma_start3A_25 : memref<500x256xf32, #tpu.memory_space<hbm>>) target_semaphore(%arg5 : memref<!tpu.dma_semaphore, #tpu.memory_space<semaphore_mem>>)
    %dma_start3A_26 = arith.constant 0 : i32
    %dma_start3A_27 = arith.constant 0 : i32
    %dma_start3A_28 = tpu.memref_slice %arg3[%add3A_8, %dma_start3A_26, %dma_start3A_27] : memref<128x500x256xf32, #tpu.memory_space<hbm>> -> memref<1x500x256xf32, #tpu.memory_space<hbm>>
    %dma_start3A_29 = tpu.memref_squeeze %dma_start3A_28 : memref<1x500x256xf32, #tpu.memory_space<hbm>> -> memref<500x256xf32, #tpu.memory_space<hbm>>
    %dma_start3A_30 = arith.constant 0 : i32
    %dma_start3A_31 = arith.constant 0 : i32
    %dma_start3A_32 = tpu.memref_slice %arg3[%add3A_8, %dma_start3A_30, %dma_start3A_31] : memref<128x500x256xf32, #tpu.memory_space<hbm>> -> memref<1x500x256xf32, #tpu.memory_space<hbm>>
    %dma_start3A_33 = tpu.memref_squeeze %dma_start3A_32 : memref<1x500x256xf32, #tpu.memory_space<hbm>> -> memref<500x256xf32, #tpu.memory_space<hbm>>
    tpu.enqueue_dma source(%arg4 : memref<500x256xf32, #tpu.memory_space<vmem>>) target(%dma_start3A_33 : memref<500x256xf32, #tpu.memory_space<hbm>>) target_semaphore(%arg5 : memref<!tpu.dma_semaphore, #tpu.memory_space<semaphore_mem>>)
    %dma_start3A_34 = arith.constant 0 : i32
    %dma_start3A_35 = arith.constant 0 : i32
    %dma_start3A_36 = tpu.memref_slice %arg3[%add3A_10, %dma_start3A_34, %dma_start3A_35] : memref<128x500x256xf32, #tpu.memory_space<hbm>> -> memref<1x500x256xf32, #tpu.memory_space<hbm>>
    %dma_start3A_37 = tpu.memref_squeeze %dma_start3A_36 : memref<1x500x256xf32, #tpu.memory_space<hbm>> -> memref<500x256xf32, #tpu.memory_space<hbm>>
    %dma_start3A_38 = arith.constant 0 : i32
    %dma_start3A_39 = arith.constant 0 : i32
    %dma_start3A_40 = tpu.memref_slice %arg3[%add3A_10, %dma_start3A_38, %dma_start3A_39] : memref<128x500x256xf32, #tpu.memory_space<hbm>> -> memref<1x500x256xf32, #tpu.memory_space<hbm>>
    %dma_start3A_41 = tpu.memref_squeeze %dma_start3A_40 : memref<1x500x256xf32, #tpu.memory_space<hbm>> -> memref<500x256xf32, #tpu.memory_space<hbm>>
    tpu.enqueue_dma source(%arg4 : memref<500x256xf32, #tpu.memory_space<vmem>>) target(%dma_start3A_41 : memref<500x256xf32, #tpu.memory_space<hbm>>) target_semaphore(%arg5 : memref<!tpu.dma_semaphore, #tpu.memory_space<semaphore_mem>>)
    %dma_wait3A = arith.constant 0 : i32
    %dma_wait3A_42 = arith.constant 0 : i32
    %dma_wait3A_43 = tpu.memref_slice %arg3[%add3A_4, %dma_wait3A, %dma_wait3A_42] : memref<128x500x256xf32, #tpu.memory_space<hbm>> -> memref<1x500x256xf32, #tpu.memory_space<hbm>>
    %dma_wait3A_44 = tpu.memref_squeeze %dma_wait3A_43 : memref<1x500x256xf32, #tpu.memory_space<hbm>> -> memref<500x256xf32, #tpu.memory_space<hbm>>
    %dma_wait3A_45 = arith.constant 0 : i32
    %dma_wait3A_46 = arith.constant 0 : i32
    %dma_wait3A_47 = tpu.memref_slice %arg3[%add3A_4, %dma_wait3A_45, %dma_wait3A_46] : memref<128x500x256xf32, #tpu.memory_space<hbm>> -> memref<1x500x256xf32, #tpu.memory_space<hbm>>
    %dma_wait3A_48 = tpu.memref_squeeze %dma_wait3A_47 : memref<1x500x256xf32, #tpu.memory_space<hbm>> -> memref<500x256xf32, #tpu.memory_space<hbm>>
    tpu.wait_dma2 semaphore(%arg5 : memref<!tpu.dma_semaphore, #tpu.memory_space<semaphore_mem>>) src(%arg4 : memref<500x256xf32, #tpu.memory_space<vmem>>) dst(%dma_wait3A_48 : memref<500x256xf32, #tpu.memory_space<hbm>>)
    %dma_wait3A_49 = arith.constant 0 : i32
    %dma_wait3A_50 = arith.constant 0 : i32
    %dma_wait3A_51 = tpu.memref_slice %arg3[%add3A_6, %dma_wait3A_49, %dma_wait3A_50] : memref<128x500x256xf32, #tpu.memory_space<hbm>> -> memref<1x500x256xf32, #tpu.memory_space<hbm>>
    %dma_wait3A_52 = tpu.memref_squeeze %dma_wait3A_51 : memref<1x500x256xf32, #tpu.memory_space<hbm>> -> memref<500x256xf32, #tpu.memory_space<hbm>>
    %dma_wait3A_53 = arith.constant 0 : i32
    %dma_wait3A_54 = arith.constant 0 : i32
    %dma_wait3A_55 = tpu.memref_slice %arg3[%add3A_6, %dma_wait3A_53, %dma_wait3A_54] : memref<128x500x256xf32, #tpu.memory_space<hbm>> -> memref<1x500x256xf32, #tpu.memory_space<hbm>>
    %dma_wait3A_56 = tpu.memref_squeeze %dma_wait3A_55 : memref<1x500x256xf32, #tpu.memory_space<hbm>> -> memref<500x256xf32, #tpu.memory_space<hbm>>
    tpu.wait_dma2 semaphore(%arg5 : memref<!tpu.dma_semaphore, #tpu.memory_space<semaphore_mem>>) src(%arg4 : memref<500x256xf32, #tpu.memory_space<vmem>>) dst(%dma_wait3A_56 : memref<500x256xf32, #tpu.memory_space<hbm>>)
    %dma_wait3A_57 = arith.constant 0 : i32
    %dma_wait3A_58 = arith.constant 0 : i32
    %dma_wait3A_59 = tpu.memref_slice %arg3[%add3A_8, %dma_wait3A_57, %dma_wait3A_58] : memref<128x500x256xf32, #tpu.memory_space<hbm>> -> memref<1x500x256xf32, #tpu.memory_space<hbm>>
    %dma_wait3A_60 = tpu.memref_squeeze %dma_wait3A_59 : memref<1x500x256xf32, #tpu.memory_space<hbm>> -> memref<500x256xf32, #tpu.memory_space<hbm>>
    %dma_wait3A_61 = arith.constant 0 : i32
    %dma_wait3A_62 = arith.constant 0 : i32
    %dma_wait3A_63 = tpu.memref_slice %arg3[%add3A_8, %dma_wait3A_61, %dma_wait3A_62] : memref<128x500x256xf32, #tpu.memory_space<hbm>> -> memref<1x500x256xf32, #tpu.memory_space<hbm>>
    %dma_wait3A_64 = tpu.memref_squeeze %dma_wait3A_63 : memref<1x500x256xf32, #tpu.memory_space<hbm>> -> memref<500x256xf32, #tpu.memory_space<hbm>>
    tpu.wait_dma2 semaphore(%arg5 : memref<!tpu.dma_semaphore, #tpu.memory_space<semaphore_mem>>) src(%arg4 : memref<500x256xf32, #tpu.memory_space<vmem>>) dst(%dma_wait3A_64 : memref<500x256xf32, #tpu.memory_space<hbm>>)
    %dma_wait3A_65 = arith.constant 0 : i32
    %dma_wait3A_66 = arith.constant 0 : i32
    %dma_wait3A_67 = tpu.memref_slice %arg3[%add3A_10, %dma_wait3A_65, %dma_wait3A_66] : memref<128x500x256xf32, #tpu.memory_space<hbm>> -> memref<1x500x256xf32, #tpu.memory_space<hbm>>
    %dma_wait3A_68 = tpu.memref_squeeze %dma_wait3A_67 : memref<1x500x256xf32, #tpu.memory_space<hbm>> -> memref<500x256xf32, #tpu.memory_space<hbm>>
    %dma_wait3A_69 = arith.constant 0 : i32
    %dma_wait3A_70 = arith.constant 0 : i32
    %dma_wait3A_71 = tpu.memref_slice %arg3[%add3A_10, %dma_wait3A_69, %dma_wait3A_70] : memref<128x500x256xf32, #tpu.memory_space<hbm>> -> memref<1x500x256xf32, #tpu.memory_space<hbm>>
    %dma_wait3A_72 = tpu.memref_squeeze %dma_wait3A_71 : memref<1x500x256xf32, #tpu.memory_space<hbm>> -> memref<500x256xf32, #tpu.memory_space<hbm>>
    tpu.wait_dma2 semaphore(%arg5 : memref<!tpu.dma_semaphore, #tpu.memory_space<semaphore_mem>>) src(%arg4 : memref<500x256xf32, #tpu.memory_space<vmem>>) dst(%dma_wait3A_72 : memref<500x256xf32, #tpu.memory_space<hbm>>)
    return
  }
}

</mosaic_0001>

<sc_bundles>
// kernel: kernel.3.cloned.1.call-start
scs
__scs_entry_jumppad:
0x0: {  	(pc) =	sbr.rel $0x88, $3  }
0x1: {  	(tag) =	ssettag $0x0;
	lr =	simm.s32 $0x1  }
0x2: {  	[smem:$0x3FA0] =	sst lr;
	_ =	strace $0xD0000000  }
0x3: {  	_ = 	snop  }
0x4: {  	_ = 	snop  }
0x5: {  	_ = 	snop  }
0x6: {  	_ = 	snop  }
0x7: {  	_ = 	snop  }
__scs_overlays_trampoline_lowered:
0x8: {  	[smem:$0x3FAF] =	sst s0  }
0x9: {  	[smem:$0x3FB0] =	sst s1  }
0xa: {  	[smem:$0x3FB1] =	sst s2  }
0xb: {  	[smem:$0x3FB2] =	sst s3  }
0xc: {  	[smem:$0x3FB3] =	sst s4  }
0xd: {  	[smem:$0x3FB4] =	sst s5  }
0xe: {  	[smem:$0x3FB5] =	sst s6  }
0xf: {  	[smem:$0x3FB6] =	sst s7  }
0x10: {  	[smem:$0x3FB7] =	sst s8  }
0x11: {  	[smem:$0x3FB8] =	sst s9;
	s0 =	simm.s32 @!p0 $0x0  }
0x12: {  	s1 =	sld [smem:$0x3F9E];
	s0 =	simm.s32 @p0 $0x1  }
0x13: {  	[smem:$0x3FB9] =	sst s0;
	s0 =	simm.s32 @!p1 $0x0  }
0x14: {  	s2 =	sld [smem:$0x3F9D];
	s0 =	simm.s32 @p1 $0x1  }
0x15: {  	[smem:$0x3FBA] =	sst s0;
	s0 =	simm.s32 @!p2 $0x0  }
0x16: {  	s3 =	sld [smem:$0x3FDB];
	s0 =	simm.s32 @p2 $0x1  }
0x17: {  	s4 =	simm.s32 $0x1BF5;
	[smem:$0x3FBC] =	sst s0  }
0x18: {  	s0 =	sld [smem:$0x3F9F];
	_ =	swait.ge [sflag:s4], $0x0  }
0x19: {  	s7 =	sld [smem:$0x3FA0]  }
0x1a: {  	s8 =	sadd.s32 $0xFFFFE003, lr  }
0x1b: {  	s9 =	sadd.s32 $0xFFFFFEF7, lr;
	s5 =	simm.s32 $0xFFFFFFFF;
	p2 =	slt.u32 s8, $0xFFFFF086  }
0x1c: {  	p1 =	slt.u32 s9, $0xF7A;
	s5 =	simm.s32 @!p2 $0x0  }
0x1d: {  	s5 =	simm.s32 @p1 $0x1;
	p0 =	seq.s32 s7, s2  }
0x1e: {  	s7 =	smul.u32 @!p0 $0xF7A, s2;
	p2 =	seq.s32 @!p0 s5, $0x0  }
0x1f: {  	s9 =	smul.u32 $0xF7A, s1;
	s8 =	simm.s32 @!p0 $0x1BF5;
	p2 =	por !p2, p0  }
0x20: {  	[sflag:s8] =	ssyncset.s32 @!p0 $0xFFFFF086;
	s6 =	sadd.s32 @!p0 s3, s7;
	s7 =	simm.s32 @!p0 $0x108  }
0x21: {  	s3 =	sadd.s32 s3, s9;
	s6 =	sadd.s32 @!p0 $0x88, s6;
	s7 =	simm.s32 @p2 $0x1082  }
0x22: {  	[simem:s7], [sflag:s8] =	dma.local @!p0 [hbm:s6], $0xF7A  }
0x23: {  	s9 =	sor.u32 $0xD0000000, s2;
	s6 =	simm.s32 $0x108;
	_ =	swait.ge @!p0 [sflag:s8], $0x0  }
0x24: {  	s3 =	sadd.s32 $0x88, s3;
	s6 =	simm.s32 @!p1 $0x1082;
	[sflag:s4] =	ssyncset.s32 $0xFFFFF086  }
0x25: {  	[simem:s6], [sflag:s4] =	dma.local [hbm:s3], $0xF7A  }
0x26: {  	[smem:$0x3FA0] =	sst s1;
	(tag) =	ssettag s2;
	_ =	strace s9  }
0x27: {  	s1 =	sld [smem:$0x3FB0]  }
0x28: {  	s2 =	sld [smem:$0x3FB1]  }
0x29: {  	s4 =	sld [smem:$0x3FB3]  }
0x2a: {  	p0 =	seq.s32 s5, $0x0;
	s5 =	sld [smem:$0x3FB4]  }
0x2b: {  	s6 =	sld [smem:$0x3FB5]  }
0x2c: {  	s7 =	sld [smem:$0x3FB6]  }
0x2d: {  	s3 =	simm.s32 $0x108;
	s8 =	sld [smem:$0x3FB7]  }
0x2e: {  	s3 =	simm.s32 @!p0 $0x1082;
	s9 =	sld [smem:$0x3FB8]  }
0x2f: {  	lr =	sadd.s32 s0, s3;
	s0 =	sld [smem:$0x3FAF]  }
0x30: {  	s3 =	sld [smem:$0x3FB2]  }
0x31: {  	[smem:$0x3FBB] =	sst s10  }
0x32: {  	s10 =	sld [smem:$0x3FB9];
	_ =	sdelay $0x3  }
0x33: {  	p0 =	seq.s32 s10, $0x1;
	s10 =	sld [smem:$0x3FBB];
	_ =	sdelay $0x3  }
0x34: {  	[smem:$0x3FBB] =	sst s10  }
0x35: {  	s10 =	sld [smem:$0x3FBA];
	_ =	sdelay $0x3  }
0x36: {  	p1 =	seq.s32 s10, $0x1;
	s10 =	sld [smem:$0x3FBB];
	_ =	sdelay $0x3  }
0x37: {  	[smem:$0x3FBB] =	sst s10  }
0x38: {  	s10 =	sld [smem:$0x3FBC]  }
0x39: {  	_ = 	snop;
	(pc) =	sbr.ind lr, $3  }
0x3a: {  	_ = 	snop  }
0x3b: {  	_ = 	snop  }
0x3c: {  	p2 =	seq.s32 s10, $0x1;
	s10 =	sld [smem:$0x3FBB]  }
0x3d: {  	_ =	shalt  }
0x3e: {  	_ =	shalt  }
0x3f: {  	_ =	shalt  }
0x40: {  	_ =	shalt  }
0x41: {  	_ =	shalt  }
0x42: {  	_ =	shalt  }
0x43: {  	_ =	shalt  }
0x44: {  	_ =	shalt  }
0x45: {  	_ =	shalt  }
0x46: {  	_ =	shalt  }
0x47: {  	_ =	shalt  }
0x48: {  	_ =	shalt  }
0x49: {  	_ =	shalt  }
0x4a: {  	_ =	shalt  }
0x4b: {  	_ =	shalt  }
0x4c: {  	_ =	shalt  }
0x4d: {  	_ =	shalt  }
0x4e: {  	_ =	shalt  }
0x4f: {  	_ =	shalt  }
0x50: {  	_ =	shalt  }
0x51: {  	_ =	shalt  }
0x52: {  	_ =	shalt  }
0x53: {  	_ =	shalt  }
0x54: {  	_ =	shalt  }
0x55: {  	_ =	shalt  }
0x56: {  	_ =	shalt  }
0x57: {  	_ =	shalt  }
0x58: {  	_ =	shalt  }
0x59: {  	_ =	shalt  }
0x5a: {  	_ =	shalt  }
0x5b: {  	_ =	shalt  }
0x5c: {  	_ =	shalt  }
0x5d: {  	_ =	shalt  }
0x5e: {  	_ =	shalt  }
0x5f: {  	_ =	shalt  }
0x60: {  	_ =	shalt  }
0x61: {  	_ =	shalt  }
0x62: {  	_ =	shalt  }
0x63: {  	_ =	shalt  }
0x64: {  	_ =	shalt  }
0x65: {  	_ =	shalt  }
0x66: {  	_ =	shalt  }
0x67: {  	_ =	shalt  }
0x68: {  	_ =	shalt  }
0x69: {  	_ =	shalt  }
0x6a: {  	_ =	shalt  }
0x6b: {  	_ =	shalt  }
0x6c: {  	_ =	shalt  }
0x6d: {  	_ =	shalt  }
0x6e: {  	_ =	shalt  }
0x6f: {  	_ =	shalt  }
0x70: {  	_ =	shalt  }
0x71: {  	_ =	shalt  }
0x72: {  	_ =	shalt  }
0x73: {  	_ =	shalt  }
0x74: {  	_ =	shalt  }
0x75: {  	_ =	shalt  }
0x76: {  	_ =	shalt  }
0x77: {  	_ =	shalt  }
0x78: {  	_ =	shalt  }
0x79: {  	_ =	shalt  }
0x7a: {  	_ =	shalt  }
0x7b: {  	_ =	shalt  }
0x7c: {  	_ =	shalt  }
0x7d: {  	_ =	shalt  }
0x7e: {  	_ =	shalt  }
0x7f: {  	_ =	shalt  }
0x80: {  	_ =	shalt  }
0x81: {  	_ =	shalt  }
0x82: {  	_ =	shalt  }
0x83: {  	_ =	shalt  }
0x84: {  	_ =	shalt  }
0x85: {  	_ =	shalt  }
0x86: {  	_ =	shalt  }
0x87: {  	_ =	shalt  }
.Lfunc_end0:
.L_simem_size_0:
called_computation_lowered:
.L_overlay_start_0:
0x88: {  	s2 =	sld [smem:$0x3FD9]  }
0x89: {  	s3 =	sld [smem:$0x3FFE];
	_ =	sdelay $0x1  }
0x8a: {  	s1 =	srdreg.scid  }
0x8b: {  	s0 =	sand.u32 $0x1, s1  }
0x8c: {  	s17 =	sshll.u32 s0, $0xA;
	s2 =	sadd.s32 s3, s2  }
0x8d: {  	s2 =	sadd.s32 s2, s17  }
0x8e: {  	[smem:$0x3FC7] =	sst s2  }
0x8f: {  	_ = 	snop  }
0x90: {  	s2 =	sld [smem:$0x3FC9];
	(tm) =	ssettm $0x1  }
0x91: {  	s18 =	sld [smem:$0x3FFB];
	_ =	sdelay $0x3  }
0x92: {  	_ =	strace s18  }
0x93: {  	s3 =	sld [smem:$0x3FFC];
	_ =	sdelay $0x3  }
0x94: {  	_ =	strace s3  }
0x95: {  	s3 =	sld [smem:$0x3FFD];
	_ =	sdelay $0x3  }
0x96: {  	_ =	strace s3  }
0x97: {  	_ =	strace $0x8FFFFFFF  }
0x98: {  	s19 =	sld [smem:$0x3FDB];
	_ =	sdelay $0x1  }
0x99: {  	s4 =	simm.s32 $_scs_section_size  }
0x9a: {  	s5 =	simm.s32 $_size__tile_overlayer_lowered;
	s6 =	simm.s32 $_tile_overlayer_lowered  }
0x9b: {  	s22 =	simm.s32 $0x1BFF;
	s21 =	sshll.u32 s6, $0x1;
	s3 =	sadd.s32 s4, s19  }
0x9c: {  	s7 =	simm.s32 $0x0;
	s20 =	sshll.u32 s5, $0x1;
	s5 =	sadd.s32 s21, s3  }
0x9d: {  	[timem:s7], [sflag:s22] =	dma.local [hbm:s5], s20  }
0x9e: {  	_ =	swait.ge [sflag:s22], s20  }
0x9f: {  	s4 =	ssub.s32 $0x0, s20;
	[sflag:s22] =	ssyncset.done $0x0  }
0xa0: {  	[sflag:s22] =	ssyncadd.s32 s4;
	_ =	sdelay $0x1  }
0xa1: {  	s23 =	simm.s32 $0x1B8B  }
0xa2: {  	_ =	swait.ge [sflag:s23], $0x1  }
0xa3: {  	[sflag:s23] =	ssyncset.done $0x0  }
0xa4: {  	s25 =	simm.s32 $0x1B8E;
	s24 =	sld [smem:$0x3FFE];
	[sflag:s23] =	ssyncadd.s32 $0xFFFFFFFF  }
0xa5: {  	s26 =	simm.s32 $execute0_lowered;
	[smem:$0x3FD2] =	sst s25  }
0xa6: {  	s5 =	sshll.u32 s26, $0x1;
	_ =	strace $0x80000046;
	[dreg:$0x1] =	wrdreg $0xFFFFFFFF  }
0xa7: {  	s28 =	simm.s32 $_size_execute0_lowered;
	s3 =	sadd.s32 s3, s5;
	[dreg:$0x0] =	wrdreg $0x0  }
0xa8: {  	s5 =	sshll.u32 s28, $0x1;
	[dreg:$0x2] =	wrdreg s3  }
0xa9: {  	[dreg:$0x3] =	wrdreg s5  }
0xaa: {  	[dreg:$0x4] =	wrdreg $0xC0  }
0xab: {  	_ =	task [dreg:s7], $0x5FFFF  }
0xac: {  	[dreg:$0x1] =	wrdreg $0xFFFFFFFF  }
0xad: {  	[dreg:$0x0] =	wrdreg $0x60  }
0xae: {  	[dreg:$0x2] =	wrdreg s2  }
0xaf: {  	[dreg:$0x3] =	wrdreg s24  }
0xb0: {  	[dreg:$0x4] =	wrdreg $0x9  }
0xb1: {  	_ =	task.clear_ibuf [dreg:s7], $0x5FFFF;
	_ =	strace $0x90000046  }
0xb2: {  	s29 =	simm.s32 $0x9;
	_ =	strace $0x80000048  }
0xb3: {  	_ =	swait.ge [sflag:s29], $0x1  }
0xb4: {  	[sflag:s29] =	ssyncadd.s32 $0xFFFFFFFF  }
0xb5: {  	_ =	strace $0x90000048  }
0xb6: {  	_ =	sfence  }
0xb7: {  	s30 =	sld [smem:$0x0];
	_ =	sdelay $0x2  }
0xb8: {  	s31 =	sshll.u32 s1, $0xD;
	s1 =	sshrl.u32 s1, $0x2  }
0xb9: {  	s3 =	sand.u32 $0x4000, s31;
	s1 =	sadd.s32 s1, s30  }
0xba: {  	s0 =	sor.u32 s3, s0;
	s1 =	sshll.u32 s1, $0x11  }
0xbb: {  	s0 =	sor.u32 s1, s0  }
0xbc: {  	s0 =	sadd.s32 $0x8F2B, s0  }
0xbd: {  	[sflag:s0] =	ssyncadd.remote.s32 $0x1  }
0xbe: {  	_ =	sfence.sel $0xFFFF  }
0xbf: {  	[dreg:$0x0] =	wrdreg $0xFFFFFFFF;
	(pc) =	sbr.abs _section_cstart, $3  }
0xc0: {  	[dreg:$0x1] =	wrdreg $0xFFFFFFFF  }
0xc1: {  	_ =	task.clear_ibuf [dreg:s7], $0x2FFFF;
	_ =	strace $0x9FFFFFFF  }
0xc2: {  	(tm) =	ssettm $0x7FFFFFFF  }
0xc3: {  	_ =	shalt  }
tec
execute0_lowered:
.L_overlay_start_1:
0x0: {  	(tag) =	ssettag $0x1  }
0x1: {  	s2 =	rddreg [dreg:$0x0]  }
0x2: {  	s5 =	rddreg [dreg:$0x1];
	s3 =	srdreg.scid  }
0x3: {  	s0 =	rddreg [dreg:$0x2];
	s1 =	stileid.u32;
	s10 =	sand.u32 $0x1, s3  }
0x4: {  	s3 =	simm.s32 $0x0;
	s4 =	sshll.u32 s1, $0x3;
	s6 =	sshll.u32 s10, $0x2  }
0x5: {  	[smem:$0x7FF] =	sst s3;
	s6 =	sor.u32 s6, s4  }
0x6: {  	_ =	strace $0x80000047;
	s4 =	simm.s32 $0x2;
	s7 =	smul.u32 $0x1F800, s6  }
0x7: {  	[tilespmem:s3], [sflag:$0x2] =	stream.linear.gather [hbm4b:s2+s3], $0x1F800, $0x38;
	[tilespmem:$0x1F800] =	vst v63  }
0x8: {  	s6 =	smul.u32 $0x3F00, s6;
	_ =	swait.ge [sflag:s4], $0x1F800  }
0x9: {  	s8 =	sadd.s32 $0x400, s5;
	s7 =	sshrl.u32 s7, $0x3;
	[sflag:s4] =	ssyncset.done $0x0  }
0xa: {  	s5 =	sadd.s32 s8, s6;
	s8 =	sadd.s32 s8, s7;
	[sflag:s4] =	ssyncadd.s32 $0xFFFE0800  }
0xb: {  	[hbm4b:s5+s3] =	stream.linear.scatter [tilespmem:s3], [sflag:$0x1], $0x1F800, $0x38;
	[tilespmem:$0x1F800] =	vst v63  }
0xc: {  	s6 =	sadd.s32 $0x3F00, s8  }
0xd: {  	[hbm4b:s6+s3] =	stream.linear.scatter [tilespmem:s3], [sflag:$0x1], $0x1F800, $0x38;
	[tilespmem:$0x1F800] =	vst v63  }
0xe: {  	s7 =	sadd.s32 $0x7E00, s8  }
0xf: {  	[hbm4b:s7+s3] =	stream.linear.scatter [tilespmem:s3], [sflag:$0x1], $0x1F800, $0x38;
	[tilespmem:$0x1F800] =	vst v63  }
0x10: {  	s9 =	sadd.s32 $0xBD00, s8;
	s8 =	simm.s32 $0x1  }
0x11: {  	[hbm4b:s9+s3] =	stream.linear.scatter [tilespmem:s3], [sflag:$0x1], $0x1F800, $0x38;
	[tilespmem:$0x1F800] =	vst v63  }
0x12: {  	_ =	swait.ge [sflag:s8], $0x1F800  }
0x13: {  	s10 =	ssub.s32 $0x2, s10;
	[sflag:s8] =	ssyncset.done $0x0  }
0x14: {  	s11 =	sshrl.u32 s10, $0x1;
	[sflag:s8] =	ssyncadd.s32 $0xFFFE0800  }
0x15: {  	s10 =	ssub.s32 s10, s11;
	_ =	swait.ge [sflag:s8], $0x1F800  }
0x16: {  	s10 =	smax.u32 s10, $0x1;
	[sflag:s8] =	ssyncset.done $0x0  }
0x17: {  	p0 =	sne.s32 s10, $0x1;
	[sflag:s8] =	ssyncadd.s32 $0xFFFE0800  }
.Ltmp0:
0x18: {  	_ =	swait.ge [sflag:s8], $0x1F800;
	(pc) =	sbr.rel @!p0 .LBB2_2-.Ltmp0, $4  }
0x19: {  	[sflag:s8] =	ssyncset.done $0x0  }
0x1a: {  	[sflag:s8] =	ssyncadd.s32 $0xFFFE0800  }
0x1b: {  	_ =	swait.ge [sflag:s8], $0x1F800  }
0x1c: {  	s10 =	sadd.s32 $0xFFFFFFFF, s10;
	[sflag:s8] =	ssyncset.done $0x0  }
.LBB2_1:
0x1d: {  	p0 =	sne.s32 s10, $0x1;
	s10 =	sadd.s32 $0xFFFFFFFF, s10;
	[sflag:s8] =	ssyncadd.s32 $0xFFFE0800  }
0x1e: {  	[tilespmem:s3], [sflag:$0x2] =	stream.linear.gather [hbm4b:s2+s3], $0x1F800, $0x38;
	[tilespmem:$0x1F800] =	vst v63  }
0x1f: {  	_ =	swait.ge [sflag:s4], $0x1F800  }
0x20: {  	[sflag:s4] =	ssyncset.done $0x0  }
0x21: {  	[sflag:s4] =	ssyncadd.s32 $0xFFFE0800  }
0x22: {  	[hbm4b:s5+s3] =	stream.linear.scatter [tilespmem:s3], [sflag:$0x1], $0x1F800, $0x38;
	[tilespmem:$0x1F800] =	vst v63  }
0x23: {  	_ = 	snop  }
0x24: {  	[hbm4b:s6+s3] =	stream.linear.scatter [tilespmem:s3], [sflag:$0x1], $0x1F800, $0x38;
	[tilespmem:$0x1F800] =	vst v63  }
0x25: {  	_ = 	snop  }
0x26: {  	[hbm4b:s7+s3] =	stream.linear.scatter [tilespmem:s3], [sflag:$0x1], $0x1F800, $0x38;
	[tilespmem:$0x1F800] =	vst v63  }
0x27: {  	_ = 	snop  }
0x28: {  	[hbm4b:s9+s3] =	stream.linear.scatter [tilespmem:s3], [sflag:$0x1], $0x1F800, $0x38;
	[tilespmem:$0x1F800] =	vst v63  }
0x29: {  	_ =	swait.ge [sflag:s8], $0x1F800  }
0x2a: {  	[sflag:s8] =	ssyncset.done $0x0  }
0x2b: {  	[sflag:s8] =	ssyncadd.s32 $0xFFFE0800  }
0x2c: {  	_ =	swait.ge [sflag:s8], $0x1F800  }
0x2d: {  	[sflag:s8] =	ssyncset.done $0x0  }
0x2e: {  	[sflag:s8] =	ssyncadd.s32 $0xFFFE0800  }
.Ltmp1:
0x2f: {  	_ =	swait.ge [sflag:s8], $0x1F800;
	(pc) =	sbr.rel @p0 .LBB2_1-.Ltmp1, $4  }
0x30: {  	[sflag:s8] =	ssyncset.done $0x0  }
0x31: {  	[sflag:s8] =	ssyncadd.s32 $0xFFFE0800  }
0x32: {  	_ =	swait.ge [sflag:s8], $0x1F800  }
0x33: {  	[sflag:s8] =	ssyncset.done $0x0  }
.LBB2_2:
0x34: {  	[sflag:s8] =	ssyncadd.s32 $0xFFFE0800  }
0x35: {  	_ =	sfence.sel $0x180000  }
0x36: {  	[bflag:$0x0] =	sbarrier.arrive $0xFFFF  }
0x37: {  	p0 =	sne.s32 s1, $0x0;
	_ =	strace $0x90000047  }
0x38: {  	s0 =	sadd.s32 @!p0 $0x100000, s0;
	[bflag:$0x2] =	sbarrier.arrive $0xFFFF  }
0x39: {  	[sflag:s0] =	ssyncadd.tile.s32 @!p0 $0x1;
	_ =	shalt  }
.Lfunc_end2:
_tile_overlayer_lowered:
.L_overlay_start_2:
0x3a: {  	(tag) =	ssettag $0x2  }
0x3b: {  	s0 =	rddreg [dreg:$0x0];
	s2 =	stileid.u32  }
0x3c: {  	s1 =	rddreg [dreg:$0x1];
	p0 =	sne.s32 s2, $0x0  }
0x3d: {  	s3 =	rddreg [dreg:$0x2];
	[bflag:$0x3] =	sbarrier.arrive $0xFFFF;
	s2 =	simm.s32 @!p0 $0x1C02  }
0x3e: {  	[timem:s3], [sflag:s2] =	dma.local @!p0 [hbm:s0], s1  }
0x3f: {  	s0 =	simm.s32 @!p0 $0x2  }
0x40: {  	_ =	swait.ge @!p0 [sflag:s0], s1  }
0x41: {  	s1 =	ssub.s32 @!p0 $0x0, s1;
	[sflag:s0] =	ssyncset.done @!p0 $0x0  }
0x42: {  	[sflag:s0] =	ssyncadd.s32 @!p0 s1  }
0x43: {  	[bflag:$0x3] =	sbarrier.arrive $0xFFFF  }
0x44: {  	_ =	shalt  }

</sc_bundles>
